<compile_context>
chip_gen: v7x
topology: tpu7x:2x2x1
jax: 0.10.2.dev20260603
libtpu: 0.0.44.dev20260713+nightly
codegen_flags: <defaults>
</compile_context>

<pallas_src>
import jax
import jax.numpy as jnp
import numpy as np
from jax.experimental import pallas as pl

B, N, D = 16, 2048, 3
P = 32
G = N // P
K = 16
H = 128
T = 64
OUT = 256
NH = 4
DH = T // NH


def _fps(xs, g):
    Bv, Nv, _ = xs.shape
    dists = jnp.full((Bv, Nv), 1e10, dtype=xs.dtype)
    last = jnp.zeros((Bv,), dtype=jnp.int32)
    def step(carry, _):
        dists, last = carry
        lp = xs[jnp.arange(Bv), last][:, None, :]
        d = jnp.sum((xs - lp) ** 2, axis=-1)
        dists = jnp.minimum(dists, d)
        nxt = jnp.argmax(dists, axis=-1).astype(jnp.int32)
        return (dists, nxt), last
    _, idxs = jax.lax.scan(step, (dists, last), None, length=g)
    return jnp.transpose(idxs, (1, 0))


def _out_proj_kernel(pooled_ref, w_ref, b_ref, o_ref):
    o_ref[...] = jnp.dot(pooled_ref[...], w_ref[...],
                         preferred_element_type=jnp.float32) + b_ref[...]


def kernel(x, We1, be1, We2, be2, Wp1, bp1, Wp2, bp2, Wq, Wk, Wv, Wo, Wf1, bf1, Wf2, bf2, Wout, bout):
    xs = jax.lax.stop_gradient(x)
    fidx = _fps(xs, G)
    c = jnp.take_along_axis(xs, fidx[:, :, None], axis=1)
    d2 = jnp.sum((c[:, :, None, :] - xs[:, None, :, :]) ** 2, axis=-1)
    nn_idx = jax.lax.top_k(-d2, P)[1]
    pts = jnp.take_along_axis(xs[:, None, :, :], nn_idx[..., None], axis=2)
    p = pts - c[:, :, None, :]
    pd = jnp.sum((p[..., :, None, :] - p[..., None, :, :]) ** 2, axis=-1)
    kidx = jax.lax.top_k(-pd, K)[1]
    nbr = jnp.take_along_axis(p[:, :, None, :, :], kidx[..., None], axis=3)
    pc = jnp.broadcast_to(p[..., :, None, :], nbr.shape)
    edge = jnp.concatenate([pc, nbr - pc], axis=-1)
    h = jax.nn.relu(edge @ We1 + be1)
    h = jnp.max(h, axis=3)
    t = jax.nn.relu(h @ We2 + be2)
    z = jnp.max(t, axis=2)
    pe = jax.nn.relu(c @ Wp1 + bp1) @ Wp2 + bp2
    z = z + pe
    q = (z @ Wq).reshape(B, G, NH, DH).transpose(0, 2, 1, 3)
    kk = (z @ Wk).reshape(B, G, NH, DH).transpose(0, 2, 1, 3)
    v = (z @ Wv).reshape(B, G, NH, DH).transpose(0, 2, 1, 3)
    att = jax.nn.softmax(jnp.einsum('bhqd,bhkd->bhqk', q, kk) / np.sqrt(DH), axis=-1)
    o = jnp.einsum('bhqk,bhkd->bhqd', att, v).transpose(0, 2, 1, 3).reshape(B, G, T) @ Wo
    z = z + o
    z = z + jax.nn.relu(z @ Wf1 + bf1) @ Wf2 + bf2
    pooled = jnp.mean(z, axis=1)
    return pl.pallas_call(
        _out_proj_kernel,
        out_shape=jax.ShapeDtypeStruct((B, OUT), jnp.float32),
    )(pooled, Wout, bout)

# --- scband reference (transcript-rebuilt; emitter-appended) ---
"""Pipeline reference for scband-point-patch-v4-feat-net-73512660238496 (READ-ONLY COPY).

The authoritative reference and input builder live on the scoring server;
editing this copy changes nothing except your own understanding.
"""

import jax, jax.numpy as jnp
import numpy as np

B, N, D = 16, 2048, 3
P = 32
G = N // P
K = 16
H = 128
T = 64
OUT = 256
NH = 4
DH = T // NH


def _fps(xs, g):
    Bv, Nv, _ = xs.shape
    dists = jnp.full((Bv, Nv), 1e10, dtype=xs.dtype)
    last = jnp.zeros((Bv,), dtype=jnp.int32)
    def step(carry, _):
        dists, last = carry
        lp = xs[jnp.arange(Bv), last][:, None, :]
        d = jnp.sum((xs - lp) ** 2, axis=-1)
        dists = jnp.minimum(dists, d)
        nxt = jnp.argmax(dists, axis=-1).astype(jnp.int32)
        return (dists, nxt), last
    _, idxs = jax.lax.scan(step, (dists, last), None, length=g)
    return jnp.transpose(idxs, (1, 0))


def _forward(x, We1, be1, We2, be2, Wp1, bp1, Wp2, bp2, Wq, Wk, Wv, Wo, Wf1, bf1, Wf2, bf2, Wout, bout):
    # grouping under no_grad in the original -> use stop_gradient throughout grouping
    xs = jax.lax.stop_gradient(x)
    fidx = _fps(xs, G)                                   # [B, G] fps center indices
    c = jnp.take_along_axis(xs, fidx[:, :, None], axis=1)  # [B, G, 3] centers
    # kNN patch grouping: patch_size nearest points to each center (retrieval-knn)
    d2 = jnp.sum((c[:, :, None, :] - xs[:, None, :, :]) ** 2, axis=-1)  # [B, G, N]
    nn_idx = jax.lax.top_k(-d2, P)[1]                    # [B, G, P]
    pts = jnp.take_along_axis(xs[:, None, :, :], nn_idx[..., None], axis=2)  # [B, G, P, 3]
    p = pts - c[:, :, None, :]                            # relative coords
    # KNNPatchEncoder: EdgeConv-style knn graph within each patch
    pd = jnp.sum((p[..., :, None, :] - p[..., None, :, :]) ** 2, axis=-1)  # [B, G, P, P]
    kidx = jax.lax.top_k(-pd, K)[1]                       # [B, G, P, K]
    nbr = jnp.take_along_axis(p[:, :, None, :, :], kidx[..., None], axis=3)  # [B, G, P, K, 3]
    pc = jnp.broadcast_to(p[..., :, None, :], nbr.shape)
    edge = jnp.concatenate([pc, nbr - pc], axis=-1)       # [B, G, P, K, 6]
    h = jax.nn.relu(edge @ We1 + be1)                     # [B, G, P, K, H]
    h = jnp.max(h, axis=3)                                # max over knn -> [B, G, P, H]
    t = jax.nn.relu(h @ We2 + be2)                        # [B, G, P, T]
    z = jnp.max(t, axis=2)                                # patch token [B, G, T]
    # mlp positional embedding of centers
    pe = jax.nn.relu(c @ Wp1 + bp1) @ Wp2 + bp2           # [B, G, T]
    z = z + pe
    # PatchWiseAttentionFeatNet: MHSA over G patch tokens + FFN + pool + proj
    q = (z @ Wq).reshape(B, G, NH, DH).transpose(0, 2, 1, 3)
    kk = (z @ Wk).reshape(B, G, NH, DH).transpose(0, 2, 1, 3)
    v = (z @ Wv).reshape(B, G, NH, DH).transpose(0, 2, 1, 3)
    att = jax.nn.softmax(jnp.einsum('bhqd,bhkd->bhqk', q, kk) / np.sqrt(DH), axis=-1)
    o = jnp.einsum('bhqk,bhkd->bhqd', att, v).transpose(0, 2, 1, 3).reshape(B, G, T) @ Wo
    z = z + o
    z = z + jax.nn.relu(z @ Wf1 + bf1) @ Wf2 + bf2
    pooled = jnp.mean(z, axis=1)                          # [B, T]
    return pooled @ Wout + bout                           # [B, dim_out]


def setup_inputs(seed: int = 0):
    key = jax.random.key(seed)
    ks = jax.random.split(key, 16)
    def w(k, shape):
        return (jax.random.normal(k, shape) / np.sqrt(shape[0])).astype(jnp.float32)
    return {
        'x': jax.random.normal(ks[0], (B, N, D), dtype=jnp.float32),
        'We1': w(ks[1], (2 * D, H)), 'be1': jnp.zeros((H,), jnp.float32),
        'We2': w(ks[2], (H, T)), 'be2': jnp.zeros((T,), jnp.float32),
        'Wp1': w(ks[3], (D, H)), 'bp1': jnp.zeros((H,), jnp.float32),
        'Wp2': w(ks[4], (H, T)), 'bp2': jnp.zeros((T,), jnp.float32),
        'Wq': w(ks[5], (T, T)), 'Wk': w(ks[6], (T, T)), 'Wv': w(ks[7], (T, T)), 'Wo': w(ks[8], (T, T)),
        'Wf1': w(ks[9], (T, 2 * T)), 'bf1': jnp.zeros((2 * T,), jnp.float32),
        'Wf2': w(ks[10], (2 * T, T)), 'bf2': jnp.zeros((T,), jnp.float32),
        'Wout': w(ks[11], (T, OUT)), 'bout': jnp.zeros((OUT,), jnp.float32),
    }


def reference(x, We1, be1, We2, be2, Wp1, bp1, Wp2, bp2, Wq, Wk, Wv, Wo, Wf1, bf1, Wf2, bf2, Wout, bout):
    return _forward(x, We1, be1, We2, be2, Wp1, bp1, Wp2, bp2, Wq, Wk, Wv, Wo, Wf1, bf1, Wf2, bf2, Wout, bout)

if __name__ == "__main__":
    import jax
    _d = setup_inputs()
    print(jax.jit(kernel)(*tuple(_d.values())))

</pallas_src>

<mosaic_0001>
module attributes {stable_mosaic.version = 14 : i64} {
  func.func @_out_proj_kernel(%arg0: memref<16x64xf32, #tpu.memory_space<vmem>>, %arg1: memref<64x256xf32, #tpu.memory_space<vmem>>, %arg2: memref<256xf32, #tpu.memory_space<vmem>>, %arg3: memref<16x256xf32, #tpu.memory_space<vmem>>) attributes {dimension_semantics = [], scalar_prefetch = 0 : i64, scratch_operands = 0 : i64, tpu.core_type = #tpu.core_type<tc>} {
    %get3A = arith.constant 0 : index
    %get3A_0 = arith.constant 0 : index
    %get3A_1 = vector.load %arg0[%get3A, %get3A_0] : memref<16x64xf32, #tpu.memory_space<vmem>>, vector<16x64xf32>
    %get3A_2 = arith.constant 0 : index
    %get3A_3 = arith.constant 0 : index
    %get3A_4 = vector.load %arg1[%get3A_2, %get3A_3] : memref<64x256xf32, #tpu.memory_space<vmem>>, vector<64x256xf32>
    %dot_general3A = arith.constant dense<0.000000e+00> : vector<16x256xf32>
    %dot_general3A_5 = tpu.matmul %get3A_1, %get3A_4, %dot_general3A {dimension_numbers = #tpu.dot_dimension_numbers<[1], [0], [0], [1], [0, 0, 1, 1], [], []>, transpose_lhs_hint = false} : vector<16x64xf32>, vector<64x256xf32>, vector<16x256xf32> -> vector<16x256xf32>
    %get3A_6 = arith.constant 0 : index
    %get3A_7 = vector.load %arg2[%get3A_6] : memref<256xf32, #tpu.memory_space<vmem>>, vector<256xf32>
    %broadcast_in_dim3A = vector.shape_cast %get3A_7 : vector<256xf32> to vector<1x256xf32>
    %add3A = vector.broadcast %broadcast_in_dim3A : vector<1x256xf32> to vector<16x256xf32>
    %add3A_8 = arith.addf %dot_general3A_5, %add3A : vector<16x256xf32>
    %swap3A = arith.constant 0 : index
    %swap3A_9 = arith.constant 0 : index
    %swap3A_10 = vector.load %arg3[%swap3A, %swap3A_9] : memref<16x256xf32, #tpu.memory_space<vmem>>, vector<16x256xf32>
    tpu.vector_store %arg3[%swap3A, %swap3A_9], %add3A_8 {strides = array<i32>} : memref<16x256xf32, #tpu.memory_space<vmem>>, vector<16x256xf32>,
    return
  }
}

</mosaic_0001>

<sc_bundles>
// kernel: gather_offload_async_start
scs
__scs_entry_jumppad:
0x0: {  	(pc) =	sbr.rel $0x88, $3  }
0x1: {  	(tag) =	ssettag $0x0;
	lr =	simm.s32 $0x1  }
0x2: {  	[smem:$0x3F8E] =	sst lr;
	_ =	strace $0xD0000000  }
0x3: {  	_ = 	snop  }
0x4: {  	_ = 	snop  }
0x5: {  	_ = 	snop  }
0x6: {  	_ = 	snop  }
0x7: {  	_ = 	snop  }
__scs_overlays_trampoline_lowered:
0x8: {  	[smem:$0x3F9D] =	sst s0  }
0x9: {  	[smem:$0x3F9E] =	sst s1  }
0xa: {  	[smem:$0x3F9F] =	sst s2  }
0xb: {  	[smem:$0x3FA0] =	sst s3  }
0xc: {  	[smem:$0x3FA1] =	sst s4  }
0xd: {  	[smem:$0x3FA2] =	sst s5  }
0xe: {  	[smem:$0x3FA3] =	sst s6  }
0xf: {  	[smem:$0x3FA4] =	sst s7  }
0x10: {  	[smem:$0x3FA5] =	sst s8  }
0x11: {  	[smem:$0x3FA6] =	sst s9;
	s0 =	simm.s32 @!p0 $0x0  }
0x12: {  	s1 =	sld [smem:$0x3F8C];
	s0 =	simm.s32 @p0 $0x1  }
0x13: {  	[smem:$0x3FA7] =	sst s0;
	s0 =	simm.s32 @!p1 $0x0  }
0x14: {  	s2 =	sld [smem:$0x3F8B];
	s0 =	simm.s32 @p1 $0x1  }
0x15: {  	[smem:$0x3FA8] =	sst s0;
	s0 =	simm.s32 @!p2 $0x0  }
0x16: {  	s3 =	sld [smem:$0x3FDB];
	s0 =	simm.s32 @p2 $0x1  }
0x17: {  	s4 =	simm.s32 $0x1BF5;
	[smem:$0x3FAA] =	sst s0  }
0x18: {  	s0 =	sld [smem:$0x3F8D];
	_ =	swait.ge [sflag:s4], $0x0  }
0x19: {  	s7 =	sld [smem:$0x3F8E]  }
0x1a: {  	s8 =	sadd.s32 $0xFFFFE003, lr  }
0x1b: {  	s9 =	sadd.s32 $0xFFFFFEF7, lr;
	s5 =	simm.s32 $0xFFFFFFFF;
	p2 =	slt.u32 s8, $0xFFFFF086  }
0x1c: {  	p1 =	slt.u32 s9, $0xF7A;
	s5 =	simm.s32 @!p2 $0x0  }
0x1d: {  	s5 =	simm.s32 @p1 $0x1;
	p0 =	seq.s32 s7, s2  }
0x1e: {  	s7 =	smul.u32 @!p0 $0xF7A, s2;
	p2 =	seq.s32 @!p0 s5, $0x0  }
0x1f: {  	s9 =	smul.u32 $0xF7A, s1;
	s8 =	simm.s32 @!p0 $0x1BF5;
	p2 =	por !p2, p0  }
0x20: {  	[sflag:s8] =	ssyncset.s32 @!p0 $0xFFFFF086;
	s6 =	sadd.s32 @!p0 s3, s7;
	s7 =	simm.s32 @!p0 $0x108  }
0x21: {  	s3 =	sadd.s32 s3, s9;
	s6 =	sadd.s32 @!p0 $0x88, s6;
	s7 =	simm.s32 @p2 $0x1082  }
0x22: {  	[simem:s7], [sflag:s8] =	dma.local @!p0 [hbm:s6], $0xF7A  }
0x23: {  	s9 =	sor.u32 $0xD0000000, s2;
	s6 =	simm.s32 $0x108;
	_ =	swait.ge @!p0 [sflag:s8], $0x0  }
0x24: {  	s3 =	sadd.s32 $0x88, s3;
	s6 =	simm.s32 @!p1 $0x1082;
	[sflag:s4] =	ssyncset.s32 $0xFFFFF086  }
0x25: {  	[simem:s6], [sflag:s4] =	dma.local [hbm:s3], $0xF7A  }
0x26: {  	[smem:$0x3F8E] =	sst s1;
	(tag) =	ssettag s2;
	_ =	strace s9  }
0x27: {  	s1 =	sld [smem:$0x3F9E]  }
0x28: {  	s2 =	sld [smem:$0x3F9F]  }
0x29: {  	s4 =	sld [smem:$0x3FA1]  }
0x2a: {  	p0 =	seq.s32 s5, $0x0;
	s5 =	sld [smem:$0x3FA2]  }
0x2b: {  	s6 =	sld [smem:$0x3FA3]  }
0x2c: {  	s7 =	sld [smem:$0x3FA4]  }
0x2d: {  	s3 =	simm.s32 $0x108;
	s8 =	sld [smem:$0x3FA5]  }
0x2e: {  	s3 =	simm.s32 @!p0 $0x1082;
	s9 =	sld [smem:$0x3FA6]  }
0x2f: {  	lr =	sadd.s32 s0, s3;
	s0 =	sld [smem:$0x3F9D]  }
0x30: {  	s3 =	sld [smem:$0x3FA0]  }
0x31: {  	[smem:$0x3FA9] =	sst s10  }
0x32: {  	s10 =	sld [smem:$0x3FA7];
	_ =	sdelay $0x3  }
0x33: {  	p0 =	seq.s32 s10, $0x1;
	s10 =	sld [smem:$0x3FA9];
	_ =	sdelay $0x3  }
0x34: {  	[smem:$0x3FA9] =	sst s10  }
0x35: {  	s10 =	sld [smem:$0x3FA8];
	_ =	sdelay $0x3  }
0x36: {  	p1 =	seq.s32 s10, $0x1;
	s10 =	sld [smem:$0x3FA9];
	_ =	sdelay $0x3  }
0x37: {  	[smem:$0x3FA9] =	sst s10  }
0x38: {  	s10 =	sld [smem:$0x3FAA]  }
0x39: {  	_ = 	snop;
	(pc) =	sbr.ind lr, $3  }
0x3a: {  	_ = 	snop  }
0x3b: {  	_ = 	snop  }
0x3c: {  	p2 =	seq.s32 s10, $0x1;
	s10 =	sld [smem:$0x3FA9]  }
0x3d: {  	_ =	shalt  }
0x3e: {  	_ =	shalt  }
0x3f: {  	_ =	shalt  }
0x40: {  	_ =	shalt  }
0x41: {  	_ =	shalt  }
0x42: {  	_ =	shalt  }
0x43: {  	_ =	shalt  }
0x44: {  	_ =	shalt  }
0x45: {  	_ =	shalt  }
0x46: {  	_ =	shalt  }
0x47: {  	_ =	shalt  }
0x48: {  	_ =	shalt  }
0x49: {  	_ =	shalt  }
0x4a: {  	_ =	shalt  }
0x4b: {  	_ =	shalt  }
0x4c: {  	_ =	shalt  }
0x4d: {  	_ =	shalt  }
0x4e: {  	_ =	shalt  }
0x4f: {  	_ =	shalt  }
0x50: {  	_ =	shalt  }
0x51: {  	_ =	shalt  }
0x52: {  	_ =	shalt  }
0x53: {  	_ =	shalt  }
0x54: {  	_ =	shalt  }
0x55: {  	_ =	shalt  }
0x56: {  	_ =	shalt  }
0x57: {  	_ =	shalt  }
0x58: {  	_ =	shalt  }
0x59: {  	_ =	shalt  }
0x5a: {  	_ =	shalt  }
0x5b: {  	_ =	shalt  }
0x5c: {  	_ =	shalt  }
0x5d: {  	_ =	shalt  }
0x5e: {  	_ =	shalt  }
0x5f: {  	_ =	shalt  }
0x60: {  	_ =	shalt  }
0x61: {  	_ =	shalt  }
0x62: {  	_ =	shalt  }
0x63: {  	_ =	shalt  }
0x64: {  	_ =	shalt  }
0x65: {  	_ =	shalt  }
0x66: {  	_ =	shalt  }
0x67: {  	_ =	shalt  }
0x68: {  	_ =	shalt  }
0x69: {  	_ =	shalt  }
0x6a: {  	_ =	shalt  }
0x6b: {  	_ =	shalt  }
0x6c: {  	_ =	shalt  }
0x6d: {  	_ =	shalt  }
0x6e: {  	_ =	shalt  }
0x6f: {  	_ =	shalt  }
0x70: {  	_ =	shalt  }
0x71: {  	_ =	shalt  }
0x72: {  	_ =	shalt  }
0x73: {  	_ =	shalt  }
0x74: {  	_ =	shalt  }
0x75: {  	_ =	shalt  }
0x76: {  	_ =	shalt  }
0x77: {  	_ =	shalt  }
0x78: {  	_ =	shalt  }
0x79: {  	_ =	shalt  }
0x7a: {  	_ =	shalt  }
0x7b: {  	_ =	shalt  }
0x7c: {  	_ =	shalt  }
0x7d: {  	_ =	shalt  }
0x7e: {  	_ =	shalt  }
0x7f: {  	_ =	shalt  }
0x80: {  	_ =	shalt  }
0x81: {  	_ =	shalt  }
0x82: {  	_ =	shalt  }
0x83: {  	_ =	shalt  }
0x84: {  	_ =	shalt  }
0x85: {  	_ =	shalt  }
0x86: {  	_ =	shalt  }
0x87: {  	_ =	shalt  }
.Lfunc_end0:
.L_simem_size_0:
called_computation_lowered:
.L_overlay_start_0:
0x88: {  	s2 =	sld [smem:$0x3FD9]  }
0x89: {  	s3 =	sld [smem:$0x3FFE];
	_ =	sdelay $0x1  }
0x8a: {  	s1 =	srdreg.scid  }
0x8b: {  	s0 =	sand.u32 $0x1, s1  }
0x8c: {  	s16 =	sshll.u32 s0, $0xA;
	s2 =	sadd.s32 s3, s2  }
0x8d: {  	s2 =	sadd.s32 s2, s16  }
0x8e: {  	[smem:$0x3FB5] =	sst s2  }
0x8f: {  	_ = 	snop  }
0x90: {  	(tm) =	ssettm $0x1  }
0x91: {  	s17 =	sld [smem:$0x3FFB];
	_ =	sdelay $0x3  }
0x92: {  	_ =	strace s17  }
0x93: {  	s2 =	sld [smem:$0x3FFC];
	_ =	sdelay $0x3  }
0x94: {  	_ =	strace s2  }
0x95: {  	s2 =	sld [smem:$0x3FFD];
	_ =	sdelay $0x3  }
0x96: {  	_ =	strace s2  }
0x97: {  	_ =	strace $0x8FFFFFFF  }
0x98: {  	s18 =	sld [smem:$0x3FDB];
	_ =	sdelay $0x1  }
0x99: {  	s19 =	simm.s32 $_scs_section_size  }
0x9a: {  	s4 =	simm.s32 $_size__tile_overlayer_lowered;
	s5 =	simm.s32 $_tile_overlayer_lowered  }
0x9b: {  	s22 =	simm.s32 $0x1BFF;
	s21 =	sshll.u32 s5, $0x1;
	s2 =	sadd.s32 s19, s18  }
0x9c: {  	s6 =	simm.s32 $0x0;
	s20 =	sshll.u32 s4, $0x1;
	s4 =	sadd.s32 s21, s2  }
0x9d: {  	[timem:s6], [sflag:s22] =	dma.local [hbm:s4], s20  }
0x9e: {  	_ =	swait.ge [sflag:s22], s20  }
0x9f: {  	s3 =	ssub.s32 $0x0, s20;
	[sflag:s22] =	ssyncset.done $0x0  }
0xa0: {  	[sflag:s22] =	ssyncadd.s32 s3;
	_ =	sdelay $0x1  }
0xa1: {  	s23 =	simm.s32 $0x1B8B  }
0xa2: {  	_ =	swait.ge [sflag:s23], $0x1  }
0xa3: {  	[sflag:s23] =	ssyncset.done $0x0  }
0xa4: {  	s25 =	simm.s32 $0x1B8E;
	s24 =	sld [smem:$0x3FFE];
	[sflag:s23] =	ssyncadd.s32 $0xFFFFFFFF  }
0xa5: {  	s26 =	simm.s32 $execute0_lowered;
	[smem:$0x3FD2] =	sst s25  }
0xa6: {  	s4 =	sshll.u32 s26, $0x1;
	_ =	strace $0x80000046;
	[dreg:$0x1] =	wrdreg $0xFFFFFFFF  }
0xa7: {  	s28 =	simm.s32 $_size_execute0_lowered;
	s2 =	sadd.s32 s2, s4;
	[dreg:$0x0] =	wrdreg $0x0  }
0xa8: {  	s4 =	sshll.u32 s28, $0x1;
	[dreg:$0x2] =	wrdreg s2  }
0xa9: {  	[dreg:$0x3] =	wrdreg s4  }
0xaa: {  	[dreg:$0x4] =	wrdreg $0xC0  }
0xab: {  	_ =	task [dreg:s6], $0x5FFFF  }
0xac: {  	[dreg:$0x1] =	wrdreg $0xFFFFFFFF  }
0xad: {  	[dreg:$0x0] =	wrdreg $0x60  }
0xae: {  	[dreg:$0x2] =	wrdreg s24  }
0xaf: {  	[dreg:$0x3] =	wrdreg $0x9  }
0xb0: {  	_ =	task.clear_ibuf [dreg:s6], $0x4FFFF;
	_ =	strace $0x90000046  }
0xb1: {  	s29 =	simm.s32 $0x9;
	_ =	strace $0x80000048  }
0xb2: {  	_ =	swait.ge [sflag:s29], $0x1  }
0xb3: {  	[sflag:s29] =	ssyncadd.s32 $0xFFFFFFFF  }
0xb4: {  	_ =	strace $0x90000048  }
0xb5: {  	_ =	sfence  }
0xb6: {  	s30 =	sld [smem:$0x0];
	_ =	sdelay $0x2  }
0xb7: {  	s31 =	sshll.u32 s1, $0xD;
	s1 =	sshrl.u32 s1, $0x2  }
0xb8: {  	s3 =	sand.u32 $0x4000, s31;
	s1 =	sadd.s32 s1, s30  }
0xb9: {  	s0 =	sor.u32 s3, s0;
	s1 =	sshll.u32 s1, $0x11  }
0xba: {  	s0 =	sor.u32 s1, s0  }
0xbb: {  	s0 =	sadd.s32 $0x8F2B, s0  }
0xbc: {  	[sflag:s0] =	ssyncadd.remote.s32 $0x1  }
0xbd: {  	_ =	sfence.sel $0xFFFF  }
0xbe: {  	[dreg:$0x0] =	wrdreg $0xFFFFFFFF;
	(pc) =	sbr.abs _section_cstart, $3  }
0xbf: {  	[dreg:$0x1] =	wrdreg $0xFFFFFFFF  }
0xc0: {  	_ =	task.clear_ibuf [dreg:s6], $0x2FFFF;
	_ =	strace $0x9FFFFFFF  }
0xc1: {  	(tm) =	ssettm $0x7FFFFFFF  }
tec
execute0_lowered:
.L_overlay_start_1:
0x0: {  	(tag) =	ssettag $0x1  }
0x1: {  	s2 =	rddreg [dreg:$0x0]  }
0x2: {  	s0 =	rddreg [dreg:$0x1]  }
0x3: {  	s1 =	srdreg.scid;
	_ =	strace $0x80000047;
	s4 =	simm.s32 $0x1  }
0x4: {  	s9 =	simm.s32 $0x3;
	s11 =	simm.s32 $0x0;
	s5 =	sshll.u32 s1, $0x4  }
.Ltmp0:
0x5: {  	s1 =	stileid.u32;
	s5 =	sand.u32 $0x10, s5;
	(pc) =	sbr.rel .LBB2_1-.Ltmp0, $4  }
0x6: {  	p0 =	por $0x0, $0x0;
	s3 =	sadd.s32 $0x80400, s2;
	s6 =	sor.u32 s1, s5  }
0x7: {  	[sflag:s4] =	ssyncpa.u1 $0x0;
	s5 =	simm.s32 $0x2;
	s6 =	sshll.u32 s6, $0xA  }
0x8: {  	s7 =	sadd.s32 $0x81400, s2;
	[sflag:s5] =	ssyncpa.u1 $0x0;
	s8 =	sadd.s32 $0x400, s6  }
0x9: {  	vm0 =	vmmov $0xff;
	vm1 =	vcmask $0x3F20;
	[sflag:s9] =	ssyncpa.u1 $0x0;
	s10 =	smov.u32 s6;
	s9 =	simm.s32 $0x0  }
.LBB2_7:
0xa: {  	p1 =	slt.u32 s9, $0x2;
	s11 =	sadd.s32 $0x100, s10  }
0xb: {  	s13 =	smov.u32 s6;
	s9 =	sadd.s32 $0x1, s9;
	p2 =	slt.s32 s11, s8  }
0xc: {  	s13 =	smov.u32 @p2 s11;
	p2 =	sne.s32 s9, $0x6  }
.Ltmp1:
0xd: {  	_ = 	snop;
	(pc) =	sbr.rel @!p2 .LBB2_8-.Ltmp1, $4  }
0xe: {  	s12 =	simm.s32 @!p1 $0x3  }
0xf: {  	_ =	swait.ge @!p1 [sflag:s12], $0x8000  }
0x10: {  	p0 =	por !p0, !p0;
	[sflag:s12] =	ssyncset.done @!p1 $0x0  }
0x11: {  	s11 =	smov.u32 s10;
	s10 =	smov.u32 s13;
	[sflag:s12] =	ssyncadd.s32 @!p1 $0xFFFF8000  }
.LBB2_1:
0x12: {  	p1 =	sgt.u32 s9, $0x3  }
0x13: {  	s12 =	sxor.u32 @!p1 $0xFFFFFFFF, s9  }
0x14: {  	s13 =	sshrl.u32 @!p1 s10, $0x3;
	s12 =	sshll.u32 @!p1 s12, $0x8  }
0x15: {  	s14 =	sand.u32 @!p1 $0x7, s10;
	s13 =	sadd.s32 @!p1 s3, s13;
	s12 =	sand.u32 @!p1 $0x100, s12  }
0x16: {  	[tilespmem:s12], [sflag:$0x2] =	stream.linear.gather @!p1 [hbm4b:s13+s14], $0x100, $0x38;
	[tilespmem:$0x10200] =	vst v63  }
0x17: {  	p1 =	seq.s32 s9, $0x0  }
0x18: {  	p2 =	seq.s32 @!p1 s9, $0x5  }
0x19: {  	p1 =	por p1, p2  }
.Ltmp2:
0x1a: {  	_ = 	snop;
	(pc) =	sbr.rel @p1 .LBB2_7-.Ltmp2, $1  }
0x1b: {  	_ =	sdelay $0x3  }
0x1c: {  	s12 =	simm.s32 $0x1  }
0x1d: {  	_ =	swait.ge [sflag:s5], $0x100;
	s12 =	simm.s32 @!p0 $0x0  }
0x1e: {  	[sflag:s5] =	ssyncset.done $0x0;
	s14 =	sshll.u32 s12, $0x8  }
0x1f: {  	[sflag:s5] =	ssyncadd.s32 $0xFFFFFF00;
	s13 =	sadd.s32 $0x0, s14  }
0x20: {  	v0 =	vld.msk [tilespmem:s13+$0x0 ss:$0x1], $0xffff;
	_ =	sdelay $0x4  }
0x21: {  	v1 =	vshll.u32 v0, $0x3  }
0x22: {  	vm2 =	veq.s32 v0, $0x80000000;
	v0 =	vshll.u32 v0, $0x12;
	v1 =	vand.u32 $0x3FF80, v1  }
0x23: {  	v0 =	vand.u32 $0x3C0000, v0;
	v1 =	vsel vm2, $0xFFFFFF80, v1  }
0x24: {  	v0 =	vsel vm2, $0xFFFC0000, v0;
	v2 =	vand.u32 $0xFFFFFC00, v1  }
0x25: {  	v1 =	vand.u32 $0x380, v1;
	v0 =	vadd.s32 v0, v2  }
0x26: {  	v0 =	vor.u32 v1, v0  }
0x27: {  	v0 =	vshrl.u32 v0, $0x3;
	_ =	sdelay $0x2  }
0x28: {  	s12 =	sshll.u32 s12, $0xF  }
0x29: {  	s12 =	sor.u32 $0x200, s12  }
0x2a: {  	[tilespmem:s12], [sflag:$0x1] =	stream.indirect_vreg.gather [hbm:s2], $0x80, v0, vm0, $0x38;
	[tilespmem:$0x10200] =	vst v63  }
0x2b: {  	s15 =	sadd.s32 $0x10, s14;
	s13 =	sadd.s32 $0x400, s12  }
0x2c: {  	[tilespmem:s13], [sflag:$0x1] =	stream.indirect_vreg.gather [hbm:s2], $0x80, v0, vm1, $0x38;
	[tilespmem:$0x10200] =	vst v63  }
0x2d: {  	s16 =	simm.s32 $0x80;
	v0 =	vld.msk [tilespmem:s15+$0x0 ss:$0x1], $0xffff;
	s15 =	smov.u32 s12  }
.LBB2_3:
0x2e: {  	p1 =	sne.s32 s16, $0x3C0;
	_ =	sdelay $0x4  }
0x2f: {  	v1 =	vshll.u32 v0, $0x3  }
0x30: {  	vm2 =	veq.s32 v0, $0x80000000;
	v0 =	vshll.u32 v0, $0x12;
	v1 =	vand.u32 $0x3FF80, v1  }
0x31: {  	v0 =	vand.u32 $0x3C0000, v0;
	v1 =	vsel vm2, $0xFFFFFF80, v1  }
0x32: {  	v0 =	vsel vm2, $0xFFFC0000, v0;
	v2 =	vand.u32 $0xFFFFFC00, v1  }
0x33: {  	v1 =	vand.u32 $0x380, v1;
	v0 =	vadd.s32 v0, v2  }
0x34: {  	v0 =	vor.u32 v1, v0  }
0x35: {  	v0 =	vshrl.u32 v0, $0x3;
	_ =	sdelay $0x3  }
.Ltmp3:
0x36: {  	s17 =	sshra.s32 s16, $0x2;
	s15 =	sadd.s32 $0x800, s15;
	(pc) =	sbr.rel @p1 .LBB2_3-.Ltmp3, $4  }
0x37: {  	[tilespmem:s15], [sflag:$0x1] =	stream.indirect_vreg.gather [hbm:s2], $0x80, v0, vm0, $0x38;
	[tilespmem:$0x10200] =	vst v63  }
0x38: {  	s17 =	sadd.s32 s17, s14;
	s18 =	sadd.s32 $0x400, s15  }
0x39: {  	[tilespmem:s18], [sflag:$0x1] =	stream.indirect_vreg.gather [hbm:s2], $0x80, v0, vm1, $0x38;
	[tilespmem:$0x10200] =	vst v63  }
0x3a: {  	s16 =	sadd.s32 $0x40, s16;
	v0 =	vld.msk [tilespmem:s17+$0x0 ss:$0x1], $0xffff  }
0x3b: {  	_ =	sdelay $0x3  }
0x3c: {  	v1 =	vshll.u32 v0, $0x3  }
0x3d: {  	vm2 =	veq.s32 v0, $0x80000000;
	v63 =	vshll.u32 v0, $0x12;
	v1 =	vand.u32 $0x3FF80, v1  }
0x3e: {  	v0 =	vand.u32 $0x3C0000, v63;
	v1 =	vsel vm2, $0xFFFFFF80, v1  }
0x3f: {  	v0 =	vsel vm2, $0xFFFC0000, v0;
	v2 =	vand.u32 $0xFFFFFC00, v1  }
0x40: {  	v1 =	vand.u32 $0x380, v1;
	v0 =	vadd.s32 v0, v2  }
0x41: {  	v0 =	vor.u32 v1, v0  }
0x42: {  	v0 =	vshrl.u32 v0, $0x3;
	_ =	sdelay $0x3  }
0x43: {  	s14 =	sadd.s32 $0x800, s15  }
0x44: {  	[tilespmem:s14], [sflag:$0x1] =	stream.indirect_vreg.gather [hbm:s2], $0x80, v0, vm0, $0x38;
	[tilespmem:$0x10200] =	vst v63  }
0x45: {  	s14 =	sadd.s32 $0x400, s14  }
0x46: {  	[tilespmem:s14], [sflag:$0x1] =	stream.indirect_vreg.gather [hbm:s2], $0x80, v0, vm1, $0x38;
	[tilespmem:$0x10200] =	vst v63  }
0x47: {  	s11 =	sshll.u32 s11, $0x4;
	_ =	swait.ge [sflag:s4], $0x8000  }
0x48: {  	s11 =	sadd.s32 s11, s7;
	[sflag:s4] =	ssyncset.done $0x0  }
0x49: {  	s15 =	sadd.s32 $0x0, s11;
	s14 =	simm.s32 $0x80;
	[sflag:s4] =	ssyncadd.s32 $0xFFFF8000  }
.LBB2_5:
0x4a: {  	[hbm:s15] =	stream.linear.scatter [tilespmem:s12], [sflag:$0x3], $0x400, $0x38;
	[tilespmem:$0x10200] =	vst v63  }
0x4b: {  	s15 =	smov.u32 s14;
	s12 =	smov.u32 s13;
	p1 =	sne.s32 s14, $0xF80  }
.Ltmp4:
0x4c: {  	s14 =	sadd.s32 $0x80, s14;
	(pc) =	sbr.rel @p1 .LBB2_5-.Ltmp4, $2  }
0x4d: {  	_ =	sdelay $0x2  }
0x4e: {  	s13 =	sadd.s32 $0x400, s13;
	s15 =	sadd.s32 s15, s11  }
.Ltmp5:
0x4f: {  	(pc) =	sbr.rel .LBB2_7-.Ltmp5, $2  }
0x50: {  	_ =	sdelay $0x2  }
0x51: {  	[hbm:s15] =	stream.linear.scatter [tilespmem:s12], [sflag:$0x3], $0x400, $0x38;
	[tilespmem:$0x10200] =	vst v63  }
.LBB2_8:
0x52: {  	_ =	sfence.sel $0x180000  }
0x53: {  	s2 =	simm.s32 $0x2;
	[bflag:$0x0] =	sbarrier.arrive $0xFFFF  }
0x54: {  	s30 =	simm.s32 $0x3;
	[sflag:s2] =	ssyncpa.u1 $0x1  }
0x55: {  	s31 =	simm.s32 $0x1;
	[sflag:s30] =	ssyncpa.u1 $0x1  }
0x56: {  	[sflag:s31] =	ssyncpa.u1 $0x1  }
0x57: {  	p0 =	sne.s32 s1, $0x0;
	_ =	strace $0x90000047  }
0x58: {  	s0 =	sadd.s32 @!p0 $0x100000, s0;
	[bflag:$0x2] =	sbarrier.arrive $0xFFFF  }
0x59: {  	[sflag:s0] =	ssyncadd.tile.s32 @!p0 $0x1;
	_ =	shalt  }
.Lfunc_end2:
_tile_overlayer_lowered:
.L_overlay_start_2:
0x5a: {  	(tag) =	ssettag $0x2  }
0x5b: {  	s0 =	rddreg [dreg:$0x0];
	s2 =	stileid.u32  }
0x5c: {  	s1 =	rddreg [dreg:$0x1];
	p0 =	sne.s32 s2, $0x0  }
0x5d: {  	s3 =	rddreg [dreg:$0x2];
	[bflag:$0x3] =	sbarrier.arrive $0xFFFF;
	s2 =	simm.s32 @!p0 $0x1C01  }
0x5e: {  	[timem:s3], [sflag:s2] =	dma.local @!p0 [hbm:s0], s1  }
0x5f: {  	s0 =	simm.s32 @!p0 $0x1  }
0x60: {  	_ =	swait.ge @!p0 [sflag:s0], s1  }
0x61: {  	s1 =	ssub.s32 @!p0 $0x0, s1;
	[sflag:s0] =	ssyncset.done @!p0 $0x0  }
0x62: {  	[sflag:s0] =	ssyncadd.s32 @!p0 s1  }
0x63: {  	[bflag:$0x3] =	sbarrier.arrive $0xFFFF  }
0x64: {  	_ =	shalt  }

</sc_bundles>
